<compile_context>
chip_gen: v7x
topology: tpu7x:2x2x1
jax: 0.10.2.dev20260603
libtpu: 0.0.44.dev20260713+nightly
codegen_flags: <defaults>
</compile_context>

<pallas_src>
import functools

import jax
import jax.numpy as jnp
from jax import lax
from jax.experimental import pallas as pl
from jax.experimental.pallas import tpu as pltpu
from jax.experimental.pallas import tpu_sc as plsc

NUM_CLASSES = 1000
B = 4096
S = 26
TOTAL_WORDS = S * NUM_CLASSES * B
N_WORKERS = 32
PAIRS_PER_WORKER = (S * B) // N_WORKERS
CHUNKS_PER_WORKER = PAIRS_PER_WORKER // 128


def _zero_body(out_ref):
    out_ref[...] = jnp.zeros_like(out_ref)


def _make_zeros():
    return pl.pallas_call(
        _zero_body,
        grid=(S,),
        out_specs=pl.BlockSpec((NUM_CLASSES, B), lambda s: (s, 0)),
        out_shape=jax.ShapeDtypeStruct((S * NUM_CLASSES, B), jnp.float32),
    )()


_sc_mesh = plsc.VectorSubcoreMesh(core_axis_name="c", subcore_axis_name="s")


@functools.partial(
    pl.kernel,
    mesh=_sc_mesh,
    scratch_types=[
        pltpu.VMEM((PAIRS_PER_WORKER,), jnp.int32),
        pltpu.VMEM((PAIRS_PER_WORKER,), jnp.int32),
        pltpu.VMEM((PAIRS_PER_WORKER,), jnp.float32),
        pltpu.SemaphoreType.DMA,
        pltpu.SemaphoreType.DMA,
    ],
)
def _sc_scatter(xt_hbm, out_hbm, xbuf, idxbuf, valbuf, lsem, ssem):
    wid = lax.axis_index("s") * 2 + lax.axis_index("c")
    q0 = wid * PAIRS_PER_WORKER
    pltpu.async_copy(xt_hbm.at[pl.ds(q0, PAIRS_PER_WORKER)], xbuf, lsem).wait()

    def fill_chunk(j, _):
        qc = q0 + j * 128
        for i in range(8):
            lane = i * 16 + lax.iota(jnp.int32, 16)
            q = qc + lane
            xv = xbuf[pl.ds(j * 128 + i * 16, 16)]
            pos = (q >> 12) * (NUM_CLASSES * B) + xv * B + (q & (B - 1))
            idxbuf[pl.ds(j * 128 + i * 16, 16)] = pos
            valbuf[pl.ds(j * 128 + i * 16, 16)] = jnp.full((16,), 1.0, jnp.float32)
        return 0

    lax.fori_loop(0, CHUNKS_PER_WORKER, fill_chunk, 0)

    pltpu.async_copy(valbuf, out_hbm.at[idxbuf], ssem).wait()


def kernel(x):
    xt_flat = x.astype(jnp.int32).T.reshape(-1)
    buf = jax.new_ref(jnp.zeros((TOTAL_WORDS,), jnp.float32))
    _sc_scatter(xt_flat, buf)
    out_flat = jax.freeze(buf)
    return out_flat.reshape(S, NUM_CLASSES, B).transpose(2, 0, 1)

# --- scband reference (transcript-rebuilt; emitter-appended) ---
"""Pipeline reference for scband-one-hot-layer-17248588660942 (READ-ONLY COPY).

The authoritative reference and input builder live on the scoring server;
editing this copy changes nothing except your own understanding.
"""

import jax, jax.numpy as jnp
import numpy as np

NUM_CLASSES = 1000

def setup_inputs(seed: int = 0) -> dict:
    key = jax.random.key(seed)
    x = jax.random.randint(key, (4096, 26), 0, NUM_CLASSES, dtype=jnp.int64)
    return {"x": x}

def reference(x) -> jnp.ndarray:
    # Faithful translation of torch F.one_hot(x.to(int64), num_classes).float()
    x = x.astype(jnp.int64)
    x_onehot = jax.nn.one_hot(x, NUM_CLASSES, dtype=jnp.float32)
    return x_onehot

if __name__ == "__main__":
    import jax
    _d = setup_inputs()
    print(jax.jit(kernel)(*tuple(_d.values())))

</pallas_src>

<mosaic_0001>
#map = affine_map<(d0, d1) -> (0)>
module attributes {stable_mosaic.version = 14 : i64} {
  func.func @new_body(%arg0: i32, %arg1: i32, %arg2: memref<106496xi32, #tpu.memory_space<hbm>>, %arg3: memref<106496000xf32, #tpu.memory_space<hbm>>, %arg4: memref<106496000xf32, #tpu.memory_space<hbm>>, %arg5: memref<3328xi32, #tpu.memory_space<vmem>>, %arg6: memref<3328xi32, #tpu.memory_space<vmem>>, %arg7: memref<3328xf32, #tpu.memory_space<vmem>>, %arg8: memref<!tpu.dma_semaphore, #tpu.memory_space<semaphore_mem>>, %arg9: memref<!tpu.dma_semaphore, #tpu.memory_space<semaphore_mem>>) attributes {dimension_semantics = [#tpu.dimension_semantics<core_parallel>, #tpu.dimension_semantics<subcore_parallel>], iteration_bounds = array<i64: 2, 16>, scalar_prefetch = 0 : i64, scratch_operands = 5 : i64, tpu.core_type = #tpu.core_type<sc_vector_subcore>, window_params = [{transform_indices = #map}, {transform_indices = #map}, {transform_indices = #map}]} {
    %mul3A = arith.constant 2 : i32
    %mul3A_0 = arith.muli %arg1, %mul3A : i32
    %add3A = arith.addi %mul3A_0, %arg0 : i32
    %mul3A_1 = arith.constant 3328 : i32
    %mul3A_2 = arith.muli %add3A, %mul3A_1 : i32
    %dma_start3A = tpu.memref_slice %arg2[%mul3A_2] : memref<106496xi32, #tpu.memory_space<hbm>> -> memref<3328xi32, #tpu.memory_space<hbm>>
    %dma_start3A_3 = tpu.memref_slice %arg2[%mul3A_2] : memref<106496xi32, #tpu.memory_space<hbm>> -> memref<3328xi32, #tpu.memory_space<hbm>>
    tpu.enqueue_dma source(%dma_start3A_3 : memref<3328xi32, #tpu.memory_space<hbm>>) target(%arg5 : memref<3328xi32, #tpu.memory_space<vmem>>) target_semaphore(%arg8 : memref<!tpu.dma_semaphore, #tpu.memory_space<semaphore_mem>>)
    %dma_wait3A = tpu.memref_slice %arg2[%mul3A_2] : memref<106496xi32, #tpu.memory_space<hbm>> -> memref<3328xi32, #tpu.memory_space<hbm>>
    %dma_wait3A_4 = tpu.memref_slice %arg2[%mul3A_2] : memref<106496xi32, #tpu.memory_space<hbm>> -> memref<3328xi32, #tpu.memory_space<hbm>>
    tpu.wait_dma2 semaphore(%arg8 : memref<!tpu.dma_semaphore, #tpu.memory_space<semaphore_mem>>) src(%dma_wait3A_4 : memref<3328xi32, #tpu.memory_space<hbm>>) dst(%arg5 : memref<3328xi32, #tpu.memory_space<vmem>>)
    %scan3A = arith.constant 0 : i32
    %scan3A_5 = arith.constant 0 : i32
    %scan3A_6 = arith.constant 26 : i32
    %scan3A_7 = arith.addi %scan3A_5, %scan3A_6 : i32
    %scan3A_8 = arith.constant 1 : i32
    %scan3A_9 = scf.for %scan3A_15 = %scan3A_5 to %scan3A_7 step %scan3A_8 iter_args(%scan3A_16 = %scan3A) -> (i32)  : i32 {
      %mul3A_17 = arith.constant 128 : i32
      %mul3A_18 = arith.muli %scan3A_15, %mul3A_17 : i32
      %add3A_19 = arith.addi %mul3A_2, %mul3A_18 : i32
      %iota3A = tpu.iota {dimensions = array<i32: 0>} : vector<16xi32>
      %add3A_20 = arith.constant 0 : i32
      %add3A_21 = vector.broadcast %add3A_20 : i32 to vector<16xi32>
      %add3A_22 = arith.addi %add3A_21, %iota3A : vector<16xi32>
      %add3A_23 = vector.broadcast %add3A_19 : i32 to vector<16xi32>
      %add3A_24 = arith.addi %add3A_23, %add3A_22 : vector<16xi32>
      %mul3A_25 = arith.constant 128 : i32
      %mul3A_26 = arith.muli %scan3A_15, %mul3A_25 : i32
      %add3A_27 = arith.constant 0 : i32
      %add3A_28 = arith.addi %mul3A_26, %add3A_27 : i32
      %get3A = arith.index_cast %add3A_28 : i32 to index
      %get3A_29 = tpu.vector_load %arg5[%get3A] {strides = array<i32>} : memref<3328xi32, #tpu.memory_space<vmem>>, vector<16xi32>,
      %get3A_30 = vector.shape_cast %get3A_29 : vector<16xi32> to vector<16xi32>
      %shift_right_arithmetic3A = arith.constant 12 : i32
      %shift_right_arithmetic3A_31 = vector.broadcast %shift_right_arithmetic3A : i32 to vector<16xi32>
      %shift_right_arithmetic3A_32 = arith.shrsi %add3A_24, %shift_right_arithmetic3A_31 : vector<16xi32>
      %mul3A_33 = arith.constant 4096000 : i32
      %mul3A_34 = vector.broadcast %mul3A_33 : i32 to vector<16xi32>
      %mul3A_35 = arith.muli %shift_right_arithmetic3A_32, %mul3A_34 : vector<16xi32>
      %mul3A_36 = arith.constant 4096 : i32
      %mul3A_37 = vector.broadcast %mul3A_36 : i32 to vector<16xi32>
      %mul3A_38 = arith.muli %get3A_30, %mul3A_37 : vector<16xi32>
      %add3A_39 = arith.addi %mul3A_35, %mul3A_38 : vector<16xi32>
      %and3A = arith.constant 4095 : i32
      %and3A_40 = vector.broadcast %and3A : i32 to vector<16xi32>
      %and3A_41 = arith.andi %add3A_24, %and3A_40 : vector<16xi32>
      %add3A_42 = arith.addi %add3A_39, %and3A_41 : vector<16xi32>
      %mul3A_43 = arith.constant 128 : i32
      %mul3A_44 = arith.muli %scan3A_15, %mul3A_43 : i32
      %add3A_45 = arith.constant 0 : i32
      %add3A_46 = arith.addi %mul3A_44, %add3A_45 : i32
      %swap3A = arith.index_cast %add3A_46 : i32 to index
      %swap3A_47 = tpu.vector_load %arg6[%swap3A] {strides = array<i32>} : memref<3328xi32, #tpu.memory_space<vmem>>, vector<16xi32>,
      %swap3A_48 = vector.shape_cast %swap3A_47 : vector<16xi32> to vector<16xi32>
      %swap3A_49 = vector.shape_cast %add3A_42 : vector<16xi32> to vector<16xi32>
      tpu.vector_store %arg6[%swap3A], %swap3A_49 {strides = array<i32>} : memref<3328xi32, #tpu.memory_space<vmem>>, vector<16xi32>,
      %broadcast_in_dim3A = arith.constant 1.000000e+00 : f32
      %broadcast_in_dim3A_50 = vector.broadcast %broadcast_in_dim3A : f32 to vector<16xf32>
      %mul3A_51 = arith.constant 128 : i32
      %mul3A_52 = arith.muli %scan3A_15, %mul3A_51 : i32
      %add3A_53 = arith.constant 0 : i32
      %add3A_54 = arith.addi %mul3A_52, %add3A_53 : i32
      %swap3A_55 = arith.index_cast %add3A_54 : i32 to index
      %swap3A_56 = tpu.vector_load %arg7[%swap3A_55] {strides = array<i32>} : memref<3328xf32, #tpu.memory_space<vmem>>, vector<16xf32>,
      %swap3A_57 = vector.shape_cast %swap3A_56 : vector<16xf32> to vector<16xf32>
      %swap3A_58 = vector.shape_cast %broadcast_in_dim3A_50 : vector<16xf32> to vector<16xf32>
      tpu.vector_store %arg7[%swap3A_55], %swap3A_58 {strides = array<i32>} : memref<3328xf32, #tpu.memory_space<vmem>>, vector<16xf32>,
      %iota3A_59 = tpu.iota {dimensions = array<i32: 0>} : vector<16xi32>
      %add3A_60 = arith.constant 16 : i32
      %add3A_61 = vector.broadcast %add3A_60 : i32 to vector<16xi32>
      %add3A_62 = arith.addi %add3A_61, %iota3A_59 : vector<16xi32>
      %add3A_63 = vector.broadcast %add3A_19 : i32 to vector<16xi32>
      %add3A_64 = arith.addi %add3A_63, %add3A_62 : vector<16xi32>
      %mul3A_65 = arith.constant 128 : i32
      %mul3A_66 = arith.muli %scan3A_15, %mul3A_65 : i32
      %add3A_67 = arith.constant 16 : i32
      %add3A_68 = arith.addi %mul3A_66, %add3A_67 : i32
      %get3A_69 = arith.index_cast %add3A_68 : i32 to index
      %get3A_70 = tpu.vector_load %arg5[%get3A_69] {strides = array<i32>} : memref<3328xi32, #tpu.memory_space<vmem>>, vector<16xi32>,
      %get3A_71 = vector.shape_cast %get3A_70 : vector<16xi32> to vector<16xi32>
      %shift_right_arithmetic3A_72 = arith.constant 12 : i32
      %shift_right_arithmetic3A_73 = vector.broadcast %shift_right_arithmetic3A_72 : i32 to vector<16xi32>
      %shift_right_arithmetic3A_74 = arith.shrsi %add3A_64, %shift_right_arithmetic3A_73 : vector<16xi32>
      %mul3A_75 = arith.constant 4096000 : i32
      %mul3A_76 = vector.broadcast %mul3A_75 : i32 to vector<16xi32>
      %mul3A_77 = arith.muli %shift_right_arithmetic3A_74, %mul3A_76 : vector<16xi32>
      %mul3A_78 = arith.constant 4096 : i32
      %mul3A_79 = vector.broadcast %mul3A_78 : i32 to vector<16xi32>
      %mul3A_80 = arith.muli %get3A_71, %mul3A_79 : vector<16xi32>
      %add3A_81 = arith.addi %mul3A_77, %mul3A_80 : vector<16xi32>
      %and3A_82 = arith.constant 4095 : i32
      %and3A_83 = vector.broadcast %and3A_82 : i32 to vector<16xi32>
      %and3A_84 = arith.andi %add3A_64, %and3A_83 : vector<16xi32>
      %add3A_85 = arith.addi %add3A_81, %and3A_84 : vector<16xi32>
      %mul3A_86 = arith.constant 128 : i32
      %mul3A_87 = arith.muli %scan3A_15, %mul3A_86 : i32
      %add3A_88 = arith.constant 16 : i32
      %add3A_89 = arith.addi %mul3A_87, %add3A_88 : i32
      %swap3A_90 = arith.index_cast %add3A_89 : i32 to index
      %swap3A_91 = tpu.vector_load %arg6[%swap3A_90] {strides = array<i32>} : memref<3328xi32, #tpu.memory_space<vmem>>, vector<16xi32>,
      %swap3A_92 = vector.shape_cast %swap3A_91 : vector<16xi32> to vector<16xi32>
      %swap3A_93 = vector.shape_cast %add3A_85 : vector<16xi32> to vector<16xi32>
      tpu.vector_store %arg6[%swap3A_90], %swap3A_93 {strides = array<i32>} : memref<3328xi32, #tpu.memory_space<vmem>>, vector<16xi32>,
      %broadcast_in_dim3A_94 = arith.constant 1.000000e+00 : f32
      %broadcast_in_dim3A_95 = vector.broadcast %broadcast_in_dim3A_94 : f32 to vector<16xf32>
      %mul3A_96 = arith.constant 128 : i32
      %mul3A_97 = arith.muli %scan3A_15, %mul3A_96 : i32
      %add3A_98 = arith.constant 16 : i32
      %add3A_99 = arith.addi %mul3A_97, %add3A_98 : i32
      %swap3A_100 = arith.index_cast %add3A_99 : i32 to index
      %swap3A_101 = tpu.vector_load %arg7[%swap3A_100] {strides = array<i32>} : memref<3328xf32, #tpu.memory_space<vmem>>, vector<16xf32>,
      %swap3A_102 = vector.shape_cast %swap3A_101 : vector<16xf32> to vector<16xf32>
      %swap3A_103 = vector.shape_cast %broadcast_in_dim3A_95 : vector<16xf32> to vector<16xf32>
      tpu.vector_store %arg7[%swap3A_100], %swap3A_103 {strides = array<i32>} : memref<3328xf32, #tpu.memory_space<vmem>>, vector<16xf32>,
      %iota3A_104 = tpu.iota {dimensions = array<i32: 0>} : vector<16xi32>
      %add3A_105 = arith.constant 32 : i32
      %add3A_106 = vector.broadcast %add3A_105 : i32 to vector<16xi32>
      %add3A_107 = arith.addi %add3A_106, %iota3A_104 : vector<16xi32>
      %add3A_108 = vector.broadcast %add3A_19 : i32 to vector<16xi32>
      %add3A_109 = arith.addi %add3A_108, %add3A_107 : vector<16xi32>
      %mul3A_110 = arith.constant 128 : i32
      %mul3A_111 = arith.muli %scan3A_15, %mul3A_110 : i32
      %add3A_112 = arith.constant 32 : i32
      %add3A_113 = arith.addi %mul3A_111, %add3A_112 : i32
      %get3A_114 = arith.index_cast %add3A_113 : i32 to index
      %get3A_115 = tpu.vector_load %arg5[%get3A_114] {strides = array<i32>} : memref<3328xi32, #tpu.memory_space<vmem>>, vector<16xi32>,
      %get3A_116 = vector.shape_cast %get3A_115 : vector<16xi32> to vector<16xi32>
      %shift_right_arithmetic3A_117 = arith.constant 12 : i32
      %shift_right_arithmetic3A_118 = vector.broadcast %shift_right_arithmetic3A_117 : i32 to vector<16xi32>
      %shift_right_arithmetic3A_119 = arith.shrsi %add3A_109, %shift_right_arithmetic3A_118 : vector<16xi32>
      %mul3A_120 = arith.constant 4096000 : i32
      %mul3A_121 = vector.broadcast %mul3A_120 : i32 to vector<16xi32>
      %mul3A_122 = arith.muli %shift_right_arithmetic3A_119, %mul3A_121 : vector<16xi32>
      %mul3A_123 = arith.constant 4096 : i32
      %mul3A_124 = vector.broadcast %mul3A_123 : i32 to vector<16xi32>
      %mul3A_125 = arith.muli %get3A_116, %mul3A_124 : vector<16xi32>
      %add3A_126 = arith.addi %mul3A_122, %mul3A_125 : vector<16xi32>
      %and3A_127 = arith.constant 4095 : i32
      %and3A_128 = vector.broadcast %and3A_127 : i32 to vector<16xi32>
      %and3A_129 = arith.andi %add3A_109, %and3A_128 : vector<16xi32>
      %add3A_130 = arith.addi %add3A_126, %and3A_129 : vector<16xi32>
      %mul3A_131 = arith.constant 128 : i32
      %mul3A_132 = arith.muli %scan3A_15, %mul3A_131 : i32
      %add3A_133 = arith.constant 32 : i32
      %add3A_134 = arith.addi %mul3A_132, %add3A_133 : i32
      %swap3A_135 = arith.index_cast %add3A_134 : i32 to index
      %swap3A_136 = tpu.vector_load %arg6[%swap3A_135] {strides = array<i32>} : memref<3328xi32, #tpu.memory_space<vmem>>, vector<16xi32>,
      %swap3A_137 = vector.shape_cast %swap3A_136 : vector<16xi32> to vector<16xi32>
      %swap3A_138 = vector.shape_cast %add3A_130 : vector<16xi32> to vector<16xi32>
      tpu.vector_store %arg6[%swap3A_135], %swap3A_138 {strides = array<i32>} : memref<3328xi32, #tpu.memory_space<vmem>>, vector<16xi32>,
      %broadcast_in_dim3A_139 = arith.constant 1.000000e+00 : f32
      %broadcast_in_dim3A_140 = vector.broadcast %broadcast_in_dim3A_139 : f32 to vector<16xf32>
      %mul3A_141 = arith.constant 128 : i32
      %mul3A_142 = arith.muli %scan3A_15, %mul3A_141 : i32
      %add3A_143 = arith.constant 32 : i32
      %add3A_144 = arith.addi %mul3A_142, %add3A_143 : i32
      %swap3A_145 = arith.index_cast %add3A_144 : i32 to index
      %swap3A_146 = tpu.vector_load %arg7[%swap3A_145] {strides = array<i32>} : memref<3328xf32, #tpu.memory_space<vmem>>, vector<16xf32>,
      %swap3A_147 = vector.shape_cast %swap3A_146 : vector<16xf32> to vector<16xf32>
      %swap3A_148 = vector.shape_cast %broadcast_in_dim3A_140 : vector<16xf32> to vector<16xf32>
      tpu.vector_store %arg7[%swap3A_145], %swap3A_148 {strides = array<i32>} : memref<3328xf32, #tpu.memory_space<vmem>>, vector<16xf32>,
      %iota3A_149 = tpu.iota {dimensions = array<i32: 0>} : vector<16xi32>
      %add3A_150 = arith.constant 48 : i32
      %add3A_151 = vector.broadcast %add3A_150 : i32 to vector<16xi32>
      %add3A_152 = arith.addi %add3A_151, %iota3A_149 : vector<16xi32>
      %add3A_153 = vector.broadcast %add3A_19 : i32 to vector<16xi32>
      %add3A_154 = arith.addi %add3A_153, %add3A_152 : vector<16xi32>
      %mul3A_155 = arith.constant 128 : i32
      %mul3A_156 = arith.muli %scan3A_15, %mul3A_155 : i32
      %add3A_157 = arith.constant 48 : i32
      %add3A_158 = arith.addi %mul3A_156, %add3A_157 : i32
      %get3A_159 = arith.index_cast %add3A_158 : i32 to index
      %get3A_160 = tpu.vector_load %arg5[%get3A_159] {strides = array<i32>} : memref<3328xi32, #tpu.memory_space<vmem>>, vector<16xi32>,
      %get3A_161 = vector.shape_cast %get3A_160 : vector<16xi32> to vector<16xi32>
      %shift_right_arithmetic3A_162 = arith.constant 12 : i32
      %shift_right_arithmetic3A_163 = vector.broadcast %shift_right_arithmetic3A_162 : i32 to vector<16xi32>
      %shift_right_arithmetic3A_164 = arith.shrsi %add3A_154, %shift_right_arithmetic3A_163 : vector<16xi32>
      %mul3A_165 = arith.constant 4096000 : i32
      %mul3A_166 = vector.broadcast %mul3A_165 : i32 to vector<16xi32>
      %mul3A_167 = arith.muli %shift_right_arithmetic3A_164, %mul3A_166 : vector<16xi32>
      %mul3A_168 = arith.constant 4096 : i32
      %mul3A_169 = vector.broadcast %mul3A_168 : i32 to vector<16xi32>
      %mul3A_170 = arith.muli %get3A_161, %mul3A_169 : vector<16xi32>
      %add3A_171 = arith.addi %mul3A_167, %mul3A_170 : vector<16xi32>
      %and3A_172 = arith.constant 4095 : i32
      %and3A_173 = vector.broadcast %and3A_172 : i32 to vector<16xi32>
      %and3A_174 = arith.andi %add3A_154, %and3A_173 : vector<16xi32>
      %add3A_175 = arith.addi %add3A_171, %and3A_174 : vector<16xi32>
      %mul3A_176 = arith.constant 128 : i32
      %mul3A_177 = arith.muli %scan3A_15, %mul3A_176 : i32
      %add3A_178 = arith.constant 48 : i32
      %add3A_179 = arith.addi %mul3A_177, %add3A_178 : i32
      %swap3A_180 = arith.index_cast %add3A_179 : i32 to index
      %swap3A_181 = tpu.vector_load %arg6[%swap3A_180] {strides = array<i32>} : memref<3328xi32, #tpu.memory_space<vmem>>, vector<16xi32>,
      %swap3A_182 = vector.shape_cast %swap3A_181 : vector<16xi32> to vector<16xi32>
      %swap3A_183 = vector.shape_cast %add3A_175 : vector<16xi32> to vector<16xi32>
      tpu.vector_store %arg6[%swap3A_180], %swap3A_183 {strides = array<i32>} : memref<3328xi32, #tpu.memory_space<vmem>>, vector<16xi32>,
      %broadcast_in_dim3A_184 = arith.constant 1.000000e+00 : f32
      %broadcast_in_dim3A_185 = vector.broadcast %broadcast_in_dim3A_184 : f32 to vector<16xf32>
      %mul3A_186 = arith.constant 128 : i32
      %mul3A_187 = arith.muli %scan3A_15, %mul3A_186 : i32
      %add3A_188 = arith.constant 48 : i32
      %add3A_189 = arith.addi %mul3A_187, %add3A_188 : i32
      %swap3A_190 = arith.index_cast %add3A_189 : i32 to index
      %swap3A_191 = tpu.vector_load %arg7[%swap3A_190] {strides = array<i32>} : memref<3328xf32, #tpu.memory_space<vmem>>, vector<16xf32>,
      %swap3A_192 = vector.shape_cast %swap3A_191 : vector<16xf32> to vector<16xf32>
      %swap3A_193 = vector.shape_cast %broadcast_in_dim3A_185 : vector<16xf32> to vector<16xf32>
      tpu.vector_store %arg7[%swap3A_190], %swap3A_193 {strides = array<i32>} : memref<3328xf32, #tpu.memory_space<vmem>>, vector<16xf32>,
      %iota3A_194 = tpu.iota {dimensions = array<i32: 0>} : vector<16xi32>
      %add3A_195 = arith.constant 64 : i32
      %add3A_196 = vector.broadcast %add3A_195 : i32 to vector<16xi32>
      %add3A_197 = arith.addi %add3A_196, %iota3A_194 : vector<16xi32>
      %add3A_198 = vector.broadcast %add3A_19 : i32 to vector<16xi32>
      %add3A_199 = arith.addi %add3A_198, %add3A_197 : vector<16xi32>
      %mul3A_200 = arith.constant 128 : i32
      %mul3A_201 = arith.muli %scan3A_15, %mul3A_200 : i32
      %add3A_202 = arith.constant 64 : i32
      %add3A_203 = arith.addi %mul3A_201, %add3A_202 : i32
      %get3A_204 = arith.index_cast %add3A_203 : i32 to index
      %get3A_205 = tpu.vector_load %arg5[%get3A_204] {strides = array<i32>} : memref<3328xi32, #tpu.memory_space<vmem>>, vector<16xi32>,
      %get3A_206 = vector.shape_cast %get3A_205 : vector<16xi32> to vector<16xi32>
      %shift_right_arithmetic3A_207 = arith.constant 12 : i32
      %shift_right_arithmetic3A_208 = vector.broadcast %shift_right_arithmetic3A_207 : i32 to vector<16xi32>
      %shift_right_arithmetic3A_209 = arith.shrsi %add3A_199, %shift_right_arithmetic3A_208 : vector<16xi32>
      %mul3A_210 = arith.constant 4096000 : i32
      %mul3A_211 = vector.broadcast %mul3A_210 : i32 to vector<16xi32>
      %mul3A_212 = arith.muli %shift_right_arithmetic3A_209, %mul3A_211 : vector<16xi32>
      %mul3A_213 = arith.constant 4096 : i32
      %mul3A_214 = vector.broadcast %mul3A_213 : i32 to vector<16xi32>
      %mul3A_215 = arith.muli %get3A_206, %mul3A_214 : vector<16xi32>
      %add3A_216 = arith.addi %mul3A_212, %mul3A_215 : vector<16xi32>
      %and3A_217 = arith.constant 4095 : i32
      %and3A_218 = vector.broadcast %and3A_217 : i32 to vector<16xi32>
      %and3A_219 = arith.andi %add3A_199, %and3A_218 : vector<16xi32>
      %add3A_220 = arith.addi %add3A_216, %and3A_219 : vector<16xi32>
      %mul3A_221 = arith.constant 128 : i32
      %mul3A_222 = arith.muli %scan3A_15, %mul3A_221 : i32
      %add3A_223 = arith.constant 64 : i32
      %add3A_224 = arith.addi %mul3A_222, %add3A_223 : i32
      %swap3A_225 = arith.index_cast %add3A_224 : i32 to index
      %swap3A_226 = tpu.vector_load %arg6[%swap3A_225] {strides = array<i32>} : memref<3328xi32, #tpu.memory_space<vmem>>, vector<16xi32>,
      %swap3A_227 = vector.shape_cast %swap3A_226 : vector<16xi32> to vector<16xi32>
      %swap3A_228 = vector.shape_cast %add3A_220 : vector<16xi32> to vector<16xi32>
      tpu.vector_store %arg6[%swap3A_225], %swap3A_228 {strides = array<i32>} : memref<3328xi32, #tpu.memory_space<vmem>>, vector<16xi32>,
      %broadcast_in_dim3A_229 = arith.constant 1.000000e+00 : f32
      %broadcast_in_dim3A_230 = vector.broadcast %broadcast_in_dim3A_229 : f32 to vector<16xf32>
      %mul3A_231 = arith.constant 128 : i32
      %mul3A_232 = arith.muli %scan3A_15, %mul3A_231 : i32
      %add3A_233 = arith.constant 64 : i32
      %add3A_234 = arith.addi %mul3A_232, %add3A_233 : i32
      %swap3A_235 = arith.index_cast %add3A_234 : i32 to index
      %swap3A_236 = tpu.vector_load %arg7[%swap3A_235] {strides = array<i32>} : memref<3328xf32, #tpu.memory_space<vmem>>, vector<16xf32>,
      %swap3A_237 = vector.shape_cast %swap3A_236 : vector<16xf32> to vector<16xf32>
      %swap3A_238 = vector.shape_cast %broadcast_in_dim3A_230 : vector<16xf32> to vector<16xf32>
      tpu.vector_store %arg7[%swap3A_235], %swap3A_238 {strides = array<i32>} : memref<3328xf32, #tpu.memory_space<vmem>>, vector<16xf32>,
      %iota3A_239 = tpu.iota {dimensions = array<i32: 0>} : vector<16xi32>
      %add3A_240 = arith.constant 80 : i32
      %add3A_241 = vector.broadcast %add3A_240 : i32 to vector<16xi32>
      %add3A_242 = arith.addi %add3A_241, %iota3A_239 : vector<16xi32>
      %add3A_243 = vector.broadcast %add3A_19 : i32 to vector<16xi32>
      %add3A_244 = arith.addi %add3A_243, %add3A_242 : vector<16xi32>
      %mul3A_245 = arith.constant 128 : i32
      %mul3A_246 = arith.muli %scan3A_15, %mul3A_245 : i32
      %add3A_247 = arith.constant 80 : i32
      %add3A_248 = arith.addi %mul3A_246, %add3A_247 : i32
      %get3A_249 = arith.index_cast %add3A_248 : i32 to index
      %get3A_250 = tpu.vector_load %arg5[%get3A_249] {strides = array<i32>} : memref<3328xi32, #tpu.memory_space<vmem>>, vector<16xi32>,
      %get3A_251 = vector.shape_cast %get3A_250 : vector<16xi32> to vector<16xi32>
      %shift_right_arithmetic3A_252 = arith.constant 12 : i32
      %shift_right_arithmetic3A_253 = vector.broadcast %shift_right_arithmetic3A_252 : i32 to vector<16xi32>
      %shift_right_arithmetic3A_254 = arith.shrsi %add3A_244, %shift_right_arithmetic3A_253 : vector<16xi32>
      %mul3A_255 = arith.constant 4096000 : i32
      %mul3A_256 = vector.broadcast %mul3A_255 : i32 to vector<16xi32>
      %mul3A_257 = arith.muli %shift_right_arithmetic3A_254, %mul3A_256 : vector<16xi32>
      %mul3A_258 = arith.constant 4096 : i32
      %mul3A_259 = vector.broadcast %mul3A_258 : i32 to vector<16xi32>
      %mul3A_260 = arith.muli %get3A_251, %mul3A_259 : vector<16xi32>
      %add3A_261 = arith.addi %mul3A_257, %mul3A_260 : vector<16xi32>
      %and3A_262 = arith.constant 4095 : i32
      %and3A_263 = vector.broadcast %and3A_262 : i32 to vector<16xi32>
      %and3A_264 = arith.andi %add3A_244, %and3A_263 : vector<16xi32>
      %add3A_265 = arith.addi %add3A_261, %and3A_264 : vector<16xi32>
      %mul3A_266 = arith.constant 128 : i32
      %mul3A_267 = arith.muli %scan3A_15, %mul3A_266 : i32
      %add3A_268 = arith.constant 80 : i32
      %add3A_269 = arith.addi %mul3A_267, %add3A_268 : i32
      %swap3A_270 = arith.index_cast %add3A_269 : i32 to index
      %swap3A_271 = tpu.vector_load %arg6[%swap3A_270] {strides = array<i32>} : memref<3328xi32, #tpu.memory_space<vmem>>, vector<16xi32>,
      %swap3A_272 = vector.shape_cast %swap3A_271 : vector<16xi32> to vector<16xi32>
      %swap3A_273 = vector.shape_cast %add3A_265 : vector<16xi32> to vector<16xi32>
      tpu.vector_store %arg6[%swap3A_270], %swap3A_273 {strides = array<i32>} : memref<3328xi32, #tpu.memory_space<vmem>>, vector<16xi32>,
      %broadcast_in_dim3A_274 = arith.constant 1.000000e+00 : f32
      %broadcast_in_dim3A_275 = vector.broadcast %broadcast_in_dim3A_274 : f32 to vector<16xf32>
      %mul3A_276 = arith.constant 128 : i32
      %mul3A_277 = arith.muli %scan3A_15, %mul3A_276 : i32
      %add3A_278 = arith.constant 80 : i32
      %add3A_279 = arith.addi %mul3A_277, %add3A_278 : i32
      %swap3A_280 = arith.index_cast %add3A_279 : i32 to index
      %swap3A_281 = tpu.vector_load %arg7[%swap3A_280] {strides = array<i32>} : memref<3328xf32, #tpu.memory_space<vmem>>, vector<16xf32>,
      %swap3A_282 = vector.shape_cast %swap3A_281 : vector<16xf32> to vector<16xf32>
      %swap3A_283 = vector.shape_cast %broadcast_in_dim3A_275 : vector<16xf32> to vector<16xf32>
      tpu.vector_store %arg7[%swap3A_280], %swap3A_283 {strides = array<i32>} : memref<3328xf32, #tpu.memory_space<vmem>>, vector<16xf32>,
      %iota3A_284 = tpu.iota {dimensions = array<i32: 0>} : vector<16xi32>
      %add3A_285 = arith.constant 96 : i32
      %add3A_286 = vector.broadcast %add3A_285 : i32 to vector<16xi32>
      %add3A_287 = arith.addi %add3A_286, %iota3A_284 : vector<16xi32>
      %add3A_288 = vector.broadcast %add3A_19 : i32 to vector<16xi32>
      %add3A_289 = arith.addi %add3A_288, %add3A_287 : vector<16xi32>
      %mul3A_290 = arith.constant 128 : i32
      %mul3A_291 = arith.muli %scan3A_15, %mul3A_290 : i32
      %add3A_292 = arith.constant 96 : i32
      %add3A_293 = arith.addi %mul3A_291, %add3A_292 : i32
      %get3A_294 = arith.index_cast %add3A_293 : i32 to index
      %get3A_295 = tpu.vector_load %arg5[%get3A_294] {strides = array<i32>} : memref<3328xi32, #tpu.memory_space<vmem>>, vector<16xi32>,
      %get3A_296 = vector.shape_cast %get3A_295 : vector<16xi32> to vector<16xi32>
      %shift_right_arithmetic3A_297 = arith.constant 12 : i32
      %shift_right_arithmetic3A_298 = vector.broadcast %shift_right_arithmetic3A_297 : i32 to vector<16xi32>
      %shift_right_arithmetic3A_299 = arith.shrsi %add3A_289, %shift_right_arithmetic3A_298 : vector<16xi32>
      %mul3A_300 = arith.constant 4096000 : i32
      %mul3A_301 = vector.broadcast %mul3A_300 : i32 to vector<16xi32>
      %mul3A_302 = arith.muli %shift_right_arithmetic3A_299, %mul3A_301 : vector<16xi32>
      %mul3A_303 = arith.constant 4096 : i32
      %mul3A_304 = vector.broadcast %mul3A_303 : i32 to vector<16xi32>
      %mul3A_305 = arith.muli %get3A_296, %mul3A_304 : vector<16xi32>
      %add3A_306 = arith.addi %mul3A_302, %mul3A_305 : vector<16xi32>
      %and3A_307 = arith.constant 4095 : i32
      %and3A_308 = vector.broadcast %and3A_307 : i32 to vector<16xi32>
      %and3A_309 = arith.andi %add3A_289, %and3A_308 : vector<16xi32>
      %add3A_310 = arith.addi %add3A_306, %and3A_309 : vector<16xi32>
      %mul3A_311 = arith.constant 128 : i32
      %mul3A_312 = arith.muli %scan3A_15, %mul3A_311 : i32
      %add3A_313 = arith.constant 96 : i32
      %add3A_314 = arith.addi %mul3A_312, %add3A_313 : i32
      %swap3A_315 = arith.index_cast %add3A_314 : i32 to index
      %swap3A_316 = tpu.vector_load %arg6[%swap3A_315] {strides = array<i32>} : memref<3328xi32, #tpu.memory_space<vmem>>, vector<16xi32>,
      %swap3A_317 = vector.shape_cast %swap3A_316 : vector<16xi32> to vector<16xi32>
      %swap3A_318 = vector.shape_cast %add3A_310 : vector<16xi32> to vector<16xi32>
      tpu.vector_store %arg6[%swap3A_315], %swap3A_318 {strides = array<i32>} : memref<3328xi32, #tpu.memory_space<vmem>>, vector<16xi32>,
      %broadcast_in_dim3A_319 = arith.constant 1.000000e+00 : f32
      %broadcast_in_dim3A_320 = vector.broadcast %broadcast_in_dim3A_319 : f32 to vector<16xf32>
      %mul3A_321 = arith.constant 128 : i32
      %mul3A_322 = arith.muli %scan3A_15, %mul3A_321 : i32
      %add3A_323 = arith.constant 96 : i32
      %add3A_324 = arith.addi %mul3A_322, %add3A_323 : i32
      %swap3A_325 = arith.index_cast %add3A_324 : i32 to index
      %swap3A_326 = tpu.vector_load %arg7[%swap3A_325] {strides = array<i32>} : memref<3328xf32, #tpu.memory_space<vmem>>, vector<16xf32>,
      %swap3A_327 = vector.shape_cast %swap3A_326 : vector<16xf32> to vector<16xf32>
      %swap3A_328 = vector.shape_cast %broadcast_in_dim3A_320 : vector<16xf32> to vector<16xf32>
      tpu.vector_store %arg7[%swap3A_325], %swap3A_328 {strides = array<i32>} : memref<3328xf32, #tpu.memory_space<vmem>>, vector<16xf32>,
      %iota3A_329 = tpu.iota {dimensions = array<i32: 0>} : vector<16xi32>
      %add3A_330 = arith.constant 112 : i32
      %add3A_331 = vector.broadcast %add3A_330 : i32 to vector<16xi32>
      %add3A_332 = arith.addi %add3A_331, %iota3A_329 : vector<16xi32>
      %add3A_333 = vector.broadcast %add3A_19 : i32 to vector<16xi32>
      %add3A_334 = arith.addi %add3A_333, %add3A_332 : vector<16xi32>
      %mul3A_335 = arith.constant 128 : i32
      %mul3A_336 = arith.muli %scan3A_15, %mul3A_335 : i32
      %add3A_337 = arith.constant 112 : i32
      %add3A_338 = arith.addi %mul3A_336, %add3A_337 : i32
      %get3A_339 = arith.index_cast %add3A_338 : i32 to index
      %get3A_340 = tpu.vector_load %arg5[%get3A_339] {strides = array<i32>} : memref<3328xi32, #tpu.memory_space<vmem>>, vector<16xi32>,
      %get3A_341 = vector.shape_cast %get3A_340 : vector<16xi32> to vector<16xi32>
      %shift_right_arithmetic3A_342 = arith.constant 12 : i32
      %shift_right_arithmetic3A_343 = vector.broadcast %shift_right_arithmetic3A_342 : i32 to vector<16xi32>
      %shift_right_arithmetic3A_344 = arith.shrsi %add3A_334, %shift_right_arithmetic3A_343 : vector<16xi32>
      %mul3A_345 = arith.constant 4096000 : i32
      %mul3A_346 = vector.broadcast %mul3A_345 : i32 to vector<16xi32>
      %mul3A_347 = arith.muli %shift_right_arithmetic3A_344, %mul3A_346 : vector<16xi32>
      %mul3A_348 = arith.constant 4096 : i32
      %mul3A_349 = vector.broadcast %mul3A_348 : i32 to vector<16xi32>
      %mul3A_350 = arith.muli %get3A_341, %mul3A_349 : vector<16xi32>
      %add3A_351 = arith.addi %mul3A_347, %mul3A_350 : vector<16xi32>
      %and3A_352 = arith.constant 4095 : i32
      %and3A_353 = vector.broadcast %and3A_352 : i32 to vector<16xi32>
      %and3A_354 = arith.andi %add3A_334, %and3A_353 : vector<16xi32>
      %add3A_355 = arith.addi %add3A_351, %and3A_354 : vector<16xi32>
      %mul3A_356 = arith.constant 128 : i32
      %mul3A_357 = arith.muli %scan3A_15, %mul3A_356 : i32
      %add3A_358 = arith.constant 112 : i32
      %add3A_359 = arith.addi %mul3A_357, %add3A_358 : i32
      %swap3A_360 = arith.index_cast %add3A_359 : i32 to index
      %swap3A_361 = tpu.vector_load %arg6[%swap3A_360] {strides = array<i32>} : memref<3328xi32, #tpu.memory_space<vmem>>, vector<16xi32>,
      %swap3A_362 = vector.shape_cast %swap3A_361 : vector<16xi32> to vector<16xi32>
      %swap3A_363 = vector.shape_cast %add3A_355 : vector<16xi32> to vector<16xi32>
      tpu.vector_store %arg6[%swap3A_360], %swap3A_363 {strides = array<i32>} : memref<3328xi32, #tpu.memory_space<vmem>>, vector<16xi32>,
      %broadcast_in_dim3A_364 = arith.constant 1.000000e+00 : f32
      %broadcast_in_dim3A_365 = vector.broadcast %broadcast_in_dim3A_364 : f32 to vector<16xf32>
      %mul3A_366 = arith.constant 128 : i32
      %mul3A_367 = arith.muli %scan3A_15, %mul3A_366 : i32
      %add3A_368 = arith.constant 112 : i32
      %add3A_369 = arith.addi %mul3A_367, %add3A_368 : i32
      %swap3A_370 = arith.index_cast %add3A_369 : i32 to index
      %swap3A_371 = tpu.vector_load %arg7[%swap3A_370] {strides = array<i32>} : memref<3328xf32, #tpu.memory_space<vmem>>, vector<16xf32>,
      %swap3A_372 = vector.shape_cast %swap3A_371 : vector<16xf32> to vector<16xf32>
      %swap3A_373 = vector.shape_cast %broadcast_in_dim3A_365 : vector<16xf32> to vector<16xf32>
      tpu.vector_store %arg7[%swap3A_370], %swap3A_373 {strides = array<i32>} : memref<3328xf32, #tpu.memory_space<vmem>>, vector<16xf32>,
      %scan3A_374 = arith.constant 0 : i32
      scf.yield %scan3A_374 : i32
    }
    %scan3A_10 = arith.constant 26 : i32
    %dma_start3A_11 = arith.constant 0 : i32
    %dma_start3A_12 = tpu.memref_slice %arg3[%dma_start3A_11] : memref<106496000xf32, #tpu.memory_space<hbm>> -> memref<106496000xf32, #tpu.memory_space<hbm>>
    tpu.enqueue_indirect_dma source(%arg7 : memref<3328xf32, #tpu.memory_space<vmem>>) target(%dma_start3A_12 : memref<106496000xf32, #tpu.memory_space<hbm>>) offsets(%arg6 : memref<3328xi32, #tpu.memory_space<vmem>>) semaphore(%arg9 : memref<!tpu.dma_semaphore, #tpu.memory_space<semaphore_mem>>)
    %dma_wait3A_13 = arith.constant 0 : i32
    %dma_wait3A_14 = tpu.memref_slice %arg3[%dma_wait3A_13] : memref<106496000xf32, #tpu.memory_space<hbm>> -> memref<106496000xf32, #tpu.memory_space<hbm>>
    tpu.wait_indirect_dma semaphore(%arg9 : memref<!tpu.dma_semaphore, #tpu.memory_space<semaphore_mem>>) src(%arg7 : memref<3328xf32, #tpu.memory_space<vmem>>) dst(%dma_wait3A_14 : memref<106496000xf32, #tpu.memory_space<hbm>>)
    return
  }
}

</mosaic_0001>

<sc_bundles>
// kernel: kernel.3.cloned.1.call-start
scs
__scs_entry_jumppad:
0x0: {  	(pc) =	sbr.rel $0x88, $3  }
0x1: {  	(tag) =	ssettag $0x0;
	lr =	simm.s32 $0x1  }
0x2: {  	[smem:$0x3FA0] =	sst lr;
	_ =	strace $0xD0000000  }
0x3: {  	_ = 	snop  }
0x4: {  	_ = 	snop  }
0x5: {  	_ = 	snop  }
0x6: {  	_ = 	snop  }
0x7: {  	_ = 	snop  }
__scs_overlays_trampoline_lowered:
0x8: {  	[smem:$0x3FAF] =	sst s0  }
0x9: {  	[smem:$0x3FB0] =	sst s1  }
0xa: {  	[smem:$0x3FB1] =	sst s2  }
0xb: {  	[smem:$0x3FB2] =	sst s3  }
0xc: {  	[smem:$0x3FB3] =	sst s4  }
0xd: {  	[smem:$0x3FB4] =	sst s5  }
0xe: {  	[smem:$0x3FB5] =	sst s6  }
0xf: {  	[smem:$0x3FB6] =	sst s7  }
0x10: {  	[smem:$0x3FB7] =	sst s8  }
0x11: {  	[smem:$0x3FB8] =	sst s9;
	s0 =	simm.s32 @!p0 $0x0  }
0x12: {  	s1 =	sld [smem:$0x3F9E];
	s0 =	simm.s32 @p0 $0x1  }
0x13: {  	[smem:$0x3FB9] =	sst s0;
	s0 =	simm.s32 @!p1 $0x0  }
0x14: {  	s2 =	sld [smem:$0x3F9D];
	s0 =	simm.s32 @p1 $0x1  }
0x15: {  	[smem:$0x3FBA] =	sst s0;
	s0 =	simm.s32 @!p2 $0x0  }
0x16: {  	s3 =	sld [smem:$0x3FDB];
	s0 =	simm.s32 @p2 $0x1  }
0x17: {  	s4 =	simm.s32 $0x1BF5;
	[smem:$0x3FBC] =	sst s0  }
0x18: {  	s0 =	sld [smem:$0x3F9F];
	_ =	swait.ge [sflag:s4], $0x0  }
0x19: {  	s7 =	sld [smem:$0x3FA0]  }
0x1a: {  	s8 =	sadd.s32 $0xFFFFE003, lr  }
0x1b: {  	s9 =	sadd.s32 $0xFFFFFEF7, lr;
	s5 =	simm.s32 $0xFFFFFFFF;
	p2 =	slt.u32 s8, $0xFFFFF086  }
0x1c: {  	p1 =	slt.u32 s9, $0xF7A;
	s5 =	simm.s32 @!p2 $0x0  }
0x1d: {  	s5 =	simm.s32 @p1 $0x1;
	p0 =	seq.s32 s7, s2  }
0x1e: {  	s7 =	smul.u32 @!p0 $0xF7A, s2;
	p2 =	seq.s32 @!p0 s5, $0x0  }
0x1f: {  	s9 =	smul.u32 $0xF7A, s1;
	s8 =	simm.s32 @!p0 $0x1BF5;
	p2 =	por !p2, p0  }
0x20: {  	[sflag:s8] =	ssyncset.s32 @!p0 $0xFFFFF086;
	s6 =	sadd.s32 @!p0 s3, s7;
	s7 =	simm.s32 @!p0 $0x108  }
0x21: {  	s3 =	sadd.s32 s3, s9;
	s6 =	sadd.s32 @!p0 $0x88, s6;
	s7 =	simm.s32 @p2 $0x1082  }
0x22: {  	[simem:s7], [sflag:s8] =	dma.local @!p0 [hbm:s6], $0xF7A  }
0x23: {  	s9 =	sor.u32 $0xD0000000, s2;
	s6 =	simm.s32 $0x108;
	_ =	swait.ge @!p0 [sflag:s8], $0x0  }
0x24: {  	s3 =	sadd.s32 $0x88, s3;
	s6 =	simm.s32 @!p1 $0x1082;
	[sflag:s4] =	ssyncset.s32 $0xFFFFF086  }
0x25: {  	[simem:s6], [sflag:s4] =	dma.local [hbm:s3], $0xF7A  }
0x26: {  	[smem:$0x3FA0] =	sst s1;
	(tag) =	ssettag s2;
	_ =	strace s9  }
0x27: {  	s1 =	sld [smem:$0x3FB0]  }
0x28: {  	s2 =	sld [smem:$0x3FB1]  }
0x29: {  	s4 =	sld [smem:$0x3FB3]  }
0x2a: {  	p0 =	seq.s32 s5, $0x0;
	s5 =	sld [smem:$0x3FB4]  }
0x2b: {  	s6 =	sld [smem:$0x3FB5]  }
0x2c: {  	s7 =	sld [smem:$0x3FB6]  }
0x2d: {  	s3 =	simm.s32 $0x108;
	s8 =	sld [smem:$0x3FB7]  }
0x2e: {  	s3 =	simm.s32 @!p0 $0x1082;
	s9 =	sld [smem:$0x3FB8]  }
0x2f: {  	lr =	sadd.s32 s0, s3;
	s0 =	sld [smem:$0x3FAF]  }
0x30: {  	s3 =	sld [smem:$0x3FB2]  }
0x31: {  	[smem:$0x3FBB] =	sst s10  }
0x32: {  	s10 =	sld [smem:$0x3FB9];
	_ =	sdelay $0x3  }
0x33: {  	p0 =	seq.s32 s10, $0x1;
	s10 =	sld [smem:$0x3FBB];
	_ =	sdelay $0x3  }
0x34: {  	[smem:$0x3FBB] =	sst s10  }
0x35: {  	s10 =	sld [smem:$0x3FBA];
	_ =	sdelay $0x3  }
0x36: {  	p1 =	seq.s32 s10, $0x1;
	s10 =	sld [smem:$0x3FBB];
	_ =	sdelay $0x3  }
0x37: {  	[smem:$0x3FBB] =	sst s10  }
0x38: {  	s10 =	sld [smem:$0x3FBC]  }
0x39: {  	_ = 	snop;
	(pc) =	sbr.ind lr, $3  }
0x3a: {  	_ = 	snop  }
0x3b: {  	_ = 	snop  }
0x3c: {  	p2 =	seq.s32 s10, $0x1;
	s10 =	sld [smem:$0x3FBB]  }
0x3d: {  	_ =	shalt  }
0x3e: {  	_ =	shalt  }
0x3f: {  	_ =	shalt  }
0x40: {  	_ =	shalt  }
0x41: {  	_ =	shalt  }
0x42: {  	_ =	shalt  }
0x43: {  	_ =	shalt  }
0x44: {  	_ =	shalt  }
0x45: {  	_ =	shalt  }
0x46: {  	_ =	shalt  }
0x47: {  	_ =	shalt  }
0x48: {  	_ =	shalt  }
0x49: {  	_ =	shalt  }
0x4a: {  	_ =	shalt  }
0x4b: {  	_ =	shalt  }
0x4c: {  	_ =	shalt  }
0x4d: {  	_ =	shalt  }
0x4e: {  	_ =	shalt  }
0x4f: {  	_ =	shalt  }
0x50: {  	_ =	shalt  }
0x51: {  	_ =	shalt  }
0x52: {  	_ =	shalt  }
0x53: {  	_ =	shalt  }
0x54: {  	_ =	shalt  }
0x55: {  	_ =	shalt  }
0x56: {  	_ =	shalt  }
0x57: {  	_ =	shalt  }
0x58: {  	_ =	shalt  }
0x59: {  	_ =	shalt  }
0x5a: {  	_ =	shalt  }
0x5b: {  	_ =	shalt  }
0x5c: {  	_ =	shalt  }
0x5d: {  	_ =	shalt  }
0x5e: {  	_ =	shalt  }
0x5f: {  	_ =	shalt  }
0x60: {  	_ =	shalt  }
0x61: {  	_ =	shalt  }
0x62: {  	_ =	shalt  }
0x63: {  	_ =	shalt  }
0x64: {  	_ =	shalt  }
0x65: {  	_ =	shalt  }
0x66: {  	_ =	shalt  }
0x67: {  	_ =	shalt  }
0x68: {  	_ =	shalt  }
0x69: {  	_ =	shalt  }
0x6a: {  	_ =	shalt  }
0x6b: {  	_ =	shalt  }
0x6c: {  	_ =	shalt  }
0x6d: {  	_ =	shalt  }
0x6e: {  	_ =	shalt  }
0x6f: {  	_ =	shalt  }
0x70: {  	_ =	shalt  }
0x71: {  	_ =	shalt  }
0x72: {  	_ =	shalt  }
0x73: {  	_ =	shalt  }
0x74: {  	_ =	shalt  }
0x75: {  	_ =	shalt  }
0x76: {  	_ =	shalt  }
0x77: {  	_ =	shalt  }
0x78: {  	_ =	shalt  }
0x79: {  	_ =	shalt  }
0x7a: {  	_ =	shalt  }
0x7b: {  	_ =	shalt  }
0x7c: {  	_ =	shalt  }
0x7d: {  	_ =	shalt  }
0x7e: {  	_ =	shalt  }
0x7f: {  	_ =	shalt  }
0x80: {  	_ =	shalt  }
0x81: {  	_ =	shalt  }
0x82: {  	_ =	shalt  }
0x83: {  	_ =	shalt  }
0x84: {  	_ =	shalt  }
0x85: {  	_ =	shalt  }
0x86: {  	_ =	shalt  }
0x87: {  	_ =	shalt  }
.Lfunc_end0:
.L_simem_size_0:
called_computation_lowered:
.L_overlay_start_0:
0x88: {  	s2 =	sld [smem:$0x3FD9]  }
0x89: {  	s3 =	sld [smem:$0x3FFE];
	_ =	sdelay $0x1  }
0x8a: {  	s1 =	srdreg.scid  }
0x8b: {  	s0 =	sand.u32 $0x1, s1  }
0x8c: {  	s17 =	sshll.u32 s0, $0xA;
	s2 =	sadd.s32 s3, s2  }
0x8d: {  	s2 =	sadd.s32 s2, s17  }
0x8e: {  	[smem:$0x3FC7] =	sst s2  }
0x8f: {  	_ = 	snop  }
0x90: {  	s2 =	sld [smem:$0x3FD0];
	(tm) =	ssettm $0x1  }
0x91: {  	s18 =	sld [smem:$0x3FFB];
	_ =	sdelay $0x3  }
0x92: {  	_ =	strace s18  }
0x93: {  	s3 =	sld [smem:$0x3FFC];
	_ =	sdelay $0x3  }
0x94: {  	_ =	strace s3  }
0x95: {  	s3 =	sld [smem:$0x3FFD];
	_ =	sdelay $0x3  }
0x96: {  	_ =	strace s3  }
0x97: {  	_ =	strace $0x8FFFFFFF  }
0x98: {  	s19 =	sld [smem:$0x3FDB];
	_ =	sdelay $0x1  }
0x99: {  	s4 =	simm.s32 $_scs_section_size  }
0x9a: {  	s5 =	simm.s32 $_size__tile_overlayer_lowered;
	s6 =	simm.s32 $_tile_overlayer_lowered  }
0x9b: {  	s22 =	simm.s32 $0x1BFF;
	s21 =	sshll.u32 s6, $0x1;
	s3 =	sadd.s32 s4, s19  }
0x9c: {  	s7 =	simm.s32 $0x0;
	s20 =	sshll.u32 s5, $0x1;
	s5 =	sadd.s32 s21, s3  }
0x9d: {  	[timem:s7], [sflag:s22] =	dma.local [hbm:s5], s20  }
0x9e: {  	_ =	swait.ge [sflag:s22], s20  }
0x9f: {  	s4 =	ssub.s32 $0x0, s20;
	[sflag:s22] =	ssyncset.done $0x0  }
0xa0: {  	[sflag:s22] =	ssyncadd.s32 s4;
	_ =	sdelay $0x1  }
0xa1: {  	s23 =	simm.s32 $0x1B8B  }
0xa2: {  	_ =	swait.ge [sflag:s23], $0x1  }
0xa3: {  	[sflag:s23] =	ssyncset.done $0x0  }
0xa4: {  	s25 =	simm.s32 $0x1B8E;
	s24 =	sld [smem:$0x3FFE];
	[sflag:s23] =	ssyncadd.s32 $0xFFFFFFFF  }
0xa5: {  	s26 =	simm.s32 $execute0_lowered;
	[smem:$0x3FD2] =	sst s25  }
0xa6: {  	s5 =	sshll.u32 s26, $0x1;
	_ =	strace $0x80000046;
	[dreg:$0x1] =	wrdreg $0xFFFFFFFF  }
0xa7: {  	s28 =	simm.s32 $_size_execute0_lowered;
	s3 =	sadd.s32 s3, s5;
	[dreg:$0x0] =	wrdreg $0x0  }
0xa8: {  	s5 =	sshll.u32 s28, $0x1;
	[dreg:$0x2] =	wrdreg s3  }
0xa9: {  	[dreg:$0x3] =	wrdreg s5  }
0xaa: {  	[dreg:$0x4] =	wrdreg $0xC0  }
0xab: {  	_ =	task [dreg:s7], $0x5FFFF  }
0xac: {  	[dreg:$0x1] =	wrdreg $0xFFFFFFFF  }
0xad: {  	[dreg:$0x0] =	wrdreg $0x60  }
0xae: {  	[dreg:$0x2] =	wrdreg s2  }
0xaf: {  	[dreg:$0x3] =	wrdreg s24  }
0xb0: {  	[dreg:$0x4] =	wrdreg $0x9  }
0xb1: {  	_ =	task.clear_ibuf [dreg:s7], $0x5FFFF;
	_ =	strace $0x90000046  }
0xb2: {  	s29 =	simm.s32 $0x9;
	_ =	strace $0x80000048  }
0xb3: {  	_ =	swait.ge [sflag:s29], $0x1  }
0xb4: {  	[sflag:s29] =	ssyncadd.s32 $0xFFFFFFFF  }
0xb5: {  	_ =	strace $0x90000048  }
0xb6: {  	_ =	sfence  }
0xb7: {  	s30 =	sld [smem:$0x0];
	_ =	sdelay $0x2  }
0xb8: {  	s31 =	sshll.u32 s1, $0xD;
	s1 =	sshrl.u32 s1, $0x2  }
0xb9: {  	s3 =	sand.u32 $0x4000, s31;
	s1 =	sadd.s32 s1, s30  }
0xba: {  	s0 =	sor.u32 s3, s0;
	s1 =	sshll.u32 s1, $0x11  }
0xbb: {  	s0 =	sor.u32 s1, s0  }
0xbc: {  	s0 =	sadd.s32 $0x8F2B, s0  }
0xbd: {  	[sflag:s0] =	ssyncadd.remote.s32 $0x1  }
0xbe: {  	_ =	sfence.sel $0xFFFF  }
0xbf: {  	[dreg:$0x0] =	wrdreg $0xFFFFFFFF;
	(pc) =	sbr.abs _section_cstart, $3  }
0xc0: {  	[dreg:$0x1] =	wrdreg $0xFFFFFFFF  }
0xc1: {  	_ =	task.clear_ibuf [dreg:s7], $0x2FFFF;
	_ =	strace $0x9FFFFFFF  }
0xc2: {  	(tm) =	ssettm $0x7FFFFFFF  }
0xc3: {  	_ =	shalt  }
tec
execute0_lowered:
.L_overlay_start_1:
0x0: {  	(tag) =	ssettag $0x1  }
0x1: {  	s4 =	rddreg [dreg:$0x0]  }
0x2: {  	s1 =	srdreg.scid;
	s0 =	stileid.u32  }
0x3: {  	s3 =	rddreg [dreg:$0x1];
	s2 =	simm.s32 $0x0;
	s10 =	simm.s32 $0x2  }
0x4: {  	s11 =	simm.s32 $0x0;
	s5 =	sand.u32 $0x1, s1;
	s1 =	rddreg [dreg:$0x2]  }
0x5: {  	s6 =	sshll.u32 s0, $0x1;
	[smem:$0x7FF] =	sst s2;
	s9 =	smul.u32 $0x1A00, s0  }
0x6: {  	s3 =	sadd.s32 $0x400, s3;
	s6 =	sor.u32 s5, s6;
	s7 =	ssub.s32 $0x2, s5  }
0x7: {  	v0 =	vlaneseq.u32;
	_ =	strace $0x80000047;
	s6 =	smul.u32 $0xD00, s6;
	s8 =	sshrl.u32 s7, $0x1  }
0x8: {  	v1 =	vimm.f32 $1.000000000e+00;
	v2 =	vor.u32 $0x10, v0;
	s31 =	smul.u32 $0xD00, s5;
	s7 =	ssub.s32 s7, s8;
	s8 =	simm.s32 $0xD00  }
0x9: {  	v3 =	vor.u32 $0x20, v0;
	v4 =	vor.u32 $0x30, v0;
	v5 =	vor.u32 $0x40, v0;
	s6 =	sshrl.u32 s6, $0x3;
	s5 =	smax.u32 s7, $0x1;
	s7 =	simm.s32 $0x1  }
0xa: {  	v6 =	vor.u32 $0x50, v0;
	v7 =	vor.u32 $0x60, v0;
	v8 =	vor.u32 $0x70, v0;
	s4 =	sadd.s32 s4, s6;
	s6 =	sadd.s32 s31, s9;
	s9 =	simm.s32 $0x1A00  }
.LBB2_1:
0xb: {  	[tilespmem:s2], [sflag:$0x1] =	stream.linear.gather [hbm4b:s4+s2], $0xD00, $0x38;
	[tilespmem:$0x2700] =	vst v63  }
0xc: {  	_ =	swait.ge [sflag:s7], $0xD00  }
0xd: {  	[sflag:s7] =	ssyncset.done $0x0  }
0xe: {  	s12 =	simm.s32 $0x0;
	[sflag:s7] =	ssyncadd.s32 $0xFFFFF300  }
0xf: {  	v9 =	vld [tilespmem:s12+$0x70]  }
0x10: {  	v13 =	vmov s6;
	v14 =	vor.u32 s6, v0;
	v15 =	vor.u32 s6, v2;
	v10 =	vld [tilespmem:s12+$0x0]  }
0x11: {  	v17 =	vor.u32 s6, v3;
	v18 =	vor.u32 s6, v4;
	v20 =	vor.u32 s6, v5;
	v11 =	vld [tilespmem:s12+$0x10]  }
0x12: {  	v21 =	vor.u32 s6, v6;
	v23 =	vor.u32 s6, v8;
	v13 =	vshrl.u32 v13, $0xC;
	v12 =	vld [tilespmem:s12+$0x20]  }
0x13: {  	v22 =	vor.u32 s6, v7;
	v23 =	vand.u32 $0xFFF, v23;
	v13 =	vmul.u32 $0x3E8000, v13;
	v16 =	vld [tilespmem:s12+$0x30]  }
0x14: {  	v14 =	vand.u32 $0xF8F, v14;
	v18 =	vand.u32 $0xFBF, v18;
	v19 =	vld [tilespmem:s12+$0x40];
	[tilespmem:s12+$0x1A00] =	vst v1;
	v9 =	vshll.u32 v9, $0xC  }
0x15: {  	v20 =	vand.u32 $0xFCF, v20;
	v24 =	vld [tilespmem:s12+$0x50];
	[tilespmem:s12+$0x1A10] =	vst v1;
	v10 =	vshll.u32 v10, $0xC;
	v9 =	vadd.s32 v13, v9  }
0x16: {  	[tilespmem:s12+$0x1A20] =	vst v1;
	v25 =	vadd.s32 v13, v10;
	v10 =	vshll.u32 v11, $0xC;
	v9 =	vor.u32 v23, v9  }
0x17: {  	[tilespmem:s12+$0x1A30] =	vst v1;
	v11 =	vld [tilespmem:s12+$0x60];
	v63 =	vadd.s32 v13, v10;
	v10 =	vshll.u32 v12, $0xC;
	v12 =	vand.u32 $0xF9F, v15  }
0x18: {  	v14 =	vor.u32 v14, v25;
	[tilespmem:s12+$0xD70] =	vst v9;
	v26 =	vadd.s32 v13, v10;
	v9 =	vshll.u32 v16, $0xC  }
0x19: {  	[tilespmem:s12+$0x1A40] =	vst v1;
	v16 =	vand.u32 $0xFAF, v17;
	v17 =	vadd.s32 v13, v9;
	v9 =	vshll.u32 v19, $0xC  }
0x1a: {  	[tilespmem:s12+$0x1A50] =	vst v1;
	v10 =	vand.u32 $0xFEF, v22;
	v19 =	vadd.s32 v13, v9;
	v9 =	vshll.u32 v24, $0xC  }
0x1b: {  	v15 =	vor.u32 v12, v63;
	[tilespmem:s12+$0xD00] =	vst v14;
	v14 =	vor.u32 v18, v17;
	v24 =	vadd.s32 v13, v9  }
0x1c: {  	[tilespmem:s12+$0x1A60] =	vst v1;
	v9 =	vshll.u32 v11, $0xC;
	v11 =	vand.u32 $0xFDF, v21;
	v12 =	vor.u32 v20, v19  }
0x1d: {  	s13 =	simm.s32 $0x80;
	s15 =	simm.s32 $0x400;
	s14 =	smov.u32 s6;
	[tilespmem:s12+$0x1A70] =	vst v1;
	v9 =	vadd.s32 v13, v9;
	v13 =	vor.u32 v16, v26;
	v11 =	vor.u32 v11, v24  }
.LBB2_2:
0x1e: {  	p0 =	sne.s32 s15, $0x3200;
	v16 =	vld [tilespmem:s13+$0x70];
	[tilespmem:s12+$0xD10] =	vst v15;
	v9 =	vor.u32 v10, v9  }
0x1f: {  	s14 =	sadd.s32 $0x80, s14;
	v10 =	vld [tilespmem:s13+$0x0];
	[tilespmem:s12+$0xD20] =	vst v13  }
0x20: {  	v13 =	vmov s14;
	v15 =	vor.u32 s14, v0;
	v17 =	vor.u32 s14, v2;
	v18 =	vld [tilespmem:s13+$0x10];
	[tilespmem:s12+$0xD30] =	vst v14  }
0x21: {  	v20 =	vor.u32 s14, v4;
	v13 =	vshrl.u32 v13, $0xC;
	v14 =	vor.u32 s14, v3;
	v19 =	vld [tilespmem:s13+$0x20];
	[tilespmem:s12+$0xD40] =	vst v12  }
0x22: {  	v21 =	vor.u32 s14, v5;
	v22 =	vor.u32 s14, v6;
	v12 =	vmul.u32 $0x3E8000, v13;
	v13 =	vld [tilespmem:s13+$0x30];
	[tilespmem:s12+$0xD50] =	vst v11  }
0x23: {  	v23 =	vor.u32 s14, v7;
	v24 =	vor.u32 s14, v8;
	v11 =	vld [tilespmem:s13+$0x40];
	v16 =	vshll.u32 v16, $0xC;
	[tilespmem:s12+$0xD60] =	vst v9;
	s12 =	smov.u32 s13  }
0x24: {  	v24 =	vand.u32 $0xFFF, v24;
	v9 =	vshll.u32 v10, $0xC;
	[tilespmem:s12+$0x1A00] =	vst v1;
	v10 =	vld [tilespmem:s12+$0x50];
	v16 =	vadd.s32 v12, v16  }
0x25: {  	v25 =	vadd.s32 v12, v9;
	v9 =	vshll.u32 v18, $0xC;
	[tilespmem:s12+$0x1A10] =	vst v1;
	v18 =	vld [tilespmem:s12+$0x60];
	v16 =	vor.u32 v24, v16  }
0x26: {  	v15 =	vand.u32 $0xF8F, v15;
	v24 =	vadd.s32 v12, v9;
	v9 =	vshll.u32 v19, $0xC;
	[tilespmem:s12+$0xD70] =	vst v16  }
0x27: {  	v16 =	vand.u32 $0xF9F, v17;
	v17 =	vadd.s32 v12, v9;
	[tilespmem:s12+$0x1A20] =	vst v1;
	v9 =	vshll.u32 v13, $0xC  }
0x28: {  	v13 =	vand.u32 $0xFAF, v14;
	v14 =	vadd.s32 v12, v9;
	[tilespmem:s12+$0x1A30] =	vst v1;
	v9 =	vshll.u32 v11, $0xC  }
.Ltmp0:
0x29: {  	v11 =	vand.u32 $0xFBF, v20;
	v19 =	vadd.s32 v12, v9;
	[tilespmem:s12+$0x1A40] =	vst v1;
	v9 =	vshll.u32 v10, $0xC;
	(pc) =	sbr.rel @p0 .LBB2_2-.Ltmp0, $4  }
0x2a: {  	v20 =	vand.u32 $0xFCF, v21;
	v21 =	vadd.s32 v12, v9;
	[tilespmem:s12+$0x1A50] =	vst v1;
	v9 =	vshll.u32 v18, $0xC  }
0x2b: {  	v10 =	vand.u32 $0xFEF, v23;
	v18 =	vand.u32 $0xFDF, v22;
	v9 =	vadd.s32 v12, v9;
	[tilespmem:s12+$0x1A60] =	vst v1  }
0x2c: {  	v13 =	vor.u32 v13, v17;
	v12 =	vor.u32 v15, v25;
	v15 =	vor.u32 v16, v24;
	[tilespmem:s12+$0x1A70] =	vst v1  }
0x2d: {  	s13 =	sshra.s32 s15, $0x2;
	s15 =	sadd.s32 $0x200, s15;
	v14 =	vor.u32 v11, v14;
	v11 =	vor.u32 v18, v21;
	[tilespmem:s12+$0xD00] =	vst v12;
	v12 =	vor.u32 v20, v19  }
0x2e: {  	v16 =	vld [tilespmem:s13+$0x70];
	[tilespmem:s12+$0xD10] =	vst v15  }
0x2f: {  	v15 =	vld [tilespmem:s13+$0x0];
	[tilespmem:s12+$0xD20] =	vst v13  }
0x30: {  	v13 =	vld [tilespmem:s13+$0x10];
	[tilespmem:s12+$0xD30] =	vst v14  }
0x31: {  	v14 =	vld [tilespmem:s13+$0x20];
	[tilespmem:s12+$0xD40] =	vst v12  }
0x32: {  	v9 =	vor.u32 v10, v9;
	v12 =	vld [tilespmem:s13+$0x30];
	[tilespmem:s12+$0xD50] =	vst v11  }
0x33: {  	s14 =	sadd.s32 $0x80, s14;
	v11 =	vld [tilespmem:s13+$0x40];
	[tilespmem:s12+$0xD60] =	vst v9  }
0x34: {  	v10 =	vmov s14;
	v58 =	vor.u32 s14, v0;
	v19 =	vor.u32 s14, v3;
	[tilespmem:s13+$0x1A00] =	vst v1  }
0x35: {  	v20 =	vor.u32 s14, v4;
	v21 =	vor.u32 s14, v5;
	v22 =	vor.u32 s14, v6;
	[tilespmem:s13+$0x1A10] =	vst v1  }
0x36: {  	v23 =	vor.u32 s14, v7;
	v10 =	vshrl.u32 v10, $0xC;
	v19 =	vand.u32 $0xFAF, v19;
	[tilespmem:s13+$0x1A20] =	vst v1  }
0x37: {  	v59 =	vand.u32 $0xFBF, v20;
	v62 =	vand.u32 $0xFDF, v22;
	v9 =	vmul.u32 $0x3E8000, v10;
	[tilespmem:s13+$0x1A30] =	vst v1  }
0x38: {  	v10 =	vor.u32 s14, v8;
	v16 =	vshll.u32 v16, $0xC;
	v15 =	vshll.u32 v15, $0xC;
	[tilespmem:s13+$0x1A40] =	vst v1  }
0x39: {  	v10 =	vand.u32 $0xFFF, v10;
	[tilespmem:s13+$0x1A50] =	vst v1;
	v16 =	vadd.s32 v9, v16;
	v15 =	vadd.s32 v9, v15  }
0x3a: {  	v17 =	vld [tilespmem:s13+$0x50];
	[tilespmem:s13+$0x1A60] =	vst v1;
	v13 =	vshll.u32 v13, $0xC;
	v10 =	vor.u32 v10, v16;
	v16 =	vand.u32 $0xF8F, v58  }
0x3b: {  	v18 =	vld [tilespmem:s13+$0x60];
	v13 =	vadd.s32 v9, v13;
	v14 =	vshll.u32 v14, $0xC;
	[tilespmem:s13+$0xD70] =	vst v10;
	v10 =	vor.u32 s14, v2  }
0x3c: {  	[tilespmem:s13+$0x1A70] =	vst v1;
	v14 =	vadd.s32 v9, v14;
	v12 =	vshll.u32 v12, $0xC;
	v15 =	vor.u32 v16, v15  }
0x3d: {  	v10 =	vand.u32 $0xF9F, v10;
	v11 =	vshll.u32 v11, $0xC;
	[tilespmem:s13+$0xD00] =	vst v15;
	v14 =	vor.u32 v19, v14  }
0x3e: {  	v12 =	vadd.s32 v9, v12;
	v10 =	vor.u32 v10, v13;
	v11 =	vadd.s32 v9, v11;
	[tilespmem:s13+$0xD20] =	vst v14  }
0x3f: {  	v60 =	vshll.u32 v17, $0xC;
	v12 =	vor.u32 v59, v12;
	[tilespmem:s13+$0xD10] =	vst v10;
	v10 =	vand.u32 $0xFCF, v21  }
0x40: {  	v61 =	vshll.u32 v18, $0xC;
	v13 =	vadd.s32 v9, v60;
	[tilespmem:s13+$0xD30] =	vst v12;
	v10 =	vor.u32 v10, v11  }
0x41: {  	s11 =	sadd.s32 $0x1, s11;
	v9 =	vadd.s32 v9, v61;
	v11 =	vand.u32 $0xFEF, v23;
	v63 =	vor.u32 v62, v13;
	[tilespmem:s13+$0xD40] =	vst v10  }
0x42: {  	p0 =	sne.s32 s11, s5;
	v9 =	vor.u32 v11, v9;
	[tilespmem:s13+$0xD50] =	vst v63  }
.Ltmp1:
0x43: {  	[tilespmem:s13+$0xD60] =	vst v9;
	(pc) =	sbr.rel @p0 .LBB2_1-.Ltmp1, $4  }
0x44: {  	[hbm4b:s3+s8] =	stream.indirect.scatter [tilespmem:s9], [sflag:$0x2], $0x1, s8, s8, $0xb8;
	[tilespmem:$0x2700] =	vst v63  }
0x45: {  	_ =	swait.ge [sflag:s10], $0xD00  }
0x46: {  	[sflag:s10] =	ssyncset.done $0x0  }
0x47: {  	[sflag:s10] =	ssyncadd.s32 $0xFFFFF300  }
0x48: {  	_ =	sfence.sel $0x180000  }
0x49: {  	[bflag:$0x0] =	sbarrier.arrive $0xFFFF  }
0x4a: {  	p0 =	sne.s32 s0, $0x0;
	_ =	strace $0x90000047  }
0x4b: {  	s0 =	sadd.s32 @!p0 $0x100000, s1;
	[bflag:$0x2] =	sbarrier.arrive $0xFFFF  }
0x4c: {  	[sflag:s0] =	ssyncadd.tile.s32 @!p0 $0x1;
	_ =	shalt  }
.Lfunc_end2:
_tile_overlayer_lowered:
.L_overlay_start_2:
0x4d: {  	(tag) =	ssettag $0x2  }
0x4e: {  	s0 =	rddreg [dreg:$0x0];
	s2 =	stileid.u32  }
0x4f: {  	s1 =	rddreg [dreg:$0x1];
	p0 =	sne.s32 s2, $0x0  }
0x50: {  	s3 =	rddreg [dreg:$0x2];
	[bflag:$0x3] =	sbarrier.arrive $0xFFFF;
	s2 =	simm.s32 @!p0 $0x1C03  }
0x51: {  	[timem:s3], [sflag:s2] =	dma.local @!p0 [hbm:s0], s1  }
0x52: {  	s0 =	simm.s32 @!p0 $0x3  }
0x53: {  	_ =	swait.ge @!p0 [sflag:s0], s1  }
0x54: {  	s1 =	ssub.s32 @!p0 $0x0, s1;
	[sflag:s0] =	ssyncset.done @!p0 $0x0  }
0x55: {  	[sflag:s0] =	ssyncadd.s32 @!p0 s1  }
0x56: {  	[bflag:$0x3] =	sbarrier.arrive $0xFFFF  }
0x57: {  	_ =	shalt  }

</sc_bundles>
